<compile_context>
chip_gen: v7x
topology: tpu7x:2x2x1
jax: 0.10.2.dev20260603
libtpu: 0.0.44.dev20260713+nightly
codegen_flags: <defaults>
</compile_context>

<pallas_src>
import functools

import jax
import jax.numpy as jnp
from jax import lax
from jax.experimental import pallas as pl
from jax.experimental.pallas import tpu as pltpu
from jax.experimental.pallas import tpu_sc as plsc

_NC = 2
_NS = 16
_NW = _NC * _NS
_NBUF = 7


@functools.lru_cache(maxsize=None)
def _make_gather(N, S, V, D):
    n_per_w = N // _NW

    mesh = plsc.VectorSubcoreMesh(core_axis_name="c", subcore_axis_name="s")

    @functools.partial(
        pl.kernel,
        mesh=mesh,
        out_type=jax.ShapeDtypeStruct((S, N, D), jnp.float32),
        scratch_types=[
            pltpu.VMEM((S, n_per_w), jnp.int32),
            pltpu.VMEM((_NBUF, n_per_w, D), jnp.float32),
            pltpu.SemaphoreType.DMA,
            pltpu.SemaphoreType.DMA,
        ],
        compiler_params=pltpu.CompilerParams(use_tc_tiling_on_sc=True),
    )
    def gather_kernel(idxt_hbm, table_hbm, out_hbm, idx_v, bufs, gsem, wsem):
        wid = lax.axis_index("s") * _NC + lax.axis_index("c")
        base = wid * n_per_w
        pltpu.sync_copy(idxt_hbm.at[:, pl.ds(base, n_per_w)], idx_v)

        def gather_copy(c):
            return pltpu.make_async_copy(
                table_hbm.at[idx_v.at[c]], bufs.at[c % _NBUF], gsem)

        def write_copy(c):
            return pltpu.make_async_copy(
                bufs.at[c % _NBUF], out_hbm.at[c, pl.ds(base, n_per_w)], wsem)

        for c in range(_NBUF - 1):
            gather_copy(c).start()

        def body(c, carry):
            gather_copy(c).wait()
            write_copy(c).start()

            @pl.when(c + _NBUF - 1 < S)
            def _():
                @pl.when(c >= 1)
                def _():
                    write_copy(c).wait()

                gather_copy(c + _NBUF - 1).start()

            return carry

        lax.fori_loop(0, S, body, 0)
        for _ in range(_NBUF):
            write_copy(0).wait()

    return gather_kernel


def kernel(resids_positional_encoded, table):
    idx = resids_positional_encoded.astype(jnp.int32)
    n, s = idx.shape
    V, D = table.shape
    out = _make_gather(n, s, V, D)(idx.T, table)
    return out.transpose(1, 0, 2)

# --- scband reference (transcript-rebuilt; emitter-appended) ---
"""Pipeline reference for scband-posit-mhcencoder-49134425866498 (READ-ONLY COPY).

The authoritative reference and input builder live on the scoring server;
editing this copy changes nothing except your own understanding.
"""

import jax, jax.numpy as jnp
import numpy as np


def setup_inputs(seed=0) -> dict:
    key = jax.random.key(seed)
    k1, k2 = jax.random.split(key)
    resids_positional_encoded = jax.random.randint(k1, (4096, 50), 0, 100000, dtype=jnp.int64 if jax.config.jax_enable_x64 else jnp.int32)
    table = jax.random.normal(k2, (100000, 128), dtype=jnp.float32)
    return {"resids_positional_encoded": resids_positional_encoded, "table": table}


def reference(resids_positional_encoded, table):
    # nn.Embedding forward: gather rows of the table by index
    return jnp.take(table, resids_positional_encoded, axis=0)

if __name__ == "__main__":
    import jax
    _d = setup_inputs()
    print(jax.jit(kernel)(*tuple(_d.values())))

</pallas_src>

<mosaic_0001>
#map = affine_map<(d0, d1) -> (0, 0)>
#map1 = affine_map<(d0, d1) -> (0, 0, 0)>
module attributes {stable_mosaic.version = 14 : i64} {
  func.func @gather_kernel(%arg0: i32, %arg1: i32, %arg2: memref<50x4096xi32, #tpu.memory_space<hbm>>, %arg3: memref<100000x128xf32, #tpu.memory_space<hbm>>, %arg4: memref<50x4096x128xf32, #tpu.memory_space<hbm>>, %arg5: memref<50x128xi32, #tpu.memory_space<vmem>>, %arg6: memref<7x128x128xf32, #tpu.memory_space<vmem>>, %arg7: memref<!tpu.dma_semaphore, #tpu.memory_space<semaphore_mem>>, %arg8: memref<!tpu.dma_semaphore, #tpu.memory_space<semaphore_mem>>) attributes {dimension_semantics = [#tpu.dimension_semantics<core_parallel>, #tpu.dimension_semantics<subcore_parallel>], iteration_bounds = array<i64: 2, 16>, scalar_prefetch = 0 : i64, scratch_operands = 4 : i64, tpu.core_type = #tpu.core_type<sc_vector_subcore>, window_params = [{transform_indices = #map}, {transform_indices = #map}, {transform_indices = #map1}]} {
    %mul3A = arith.constant 2 : i32
    %mul3A_0 = arith.muli %arg1, %mul3A : i32
    %add3A = arith.addi %mul3A_0, %arg0 : i32
    %mul3A_1 = arith.constant 128 : i32
    %mul3A_2 = arith.muli %add3A, %mul3A_1 : i32
    "tpu.region"() ({
      %run_scoped3A = tpu.sem_alloc : memref<!tpu.dma_semaphore, #tpu.memory_space<semaphore_mem>>
      %dma_start3A_190 = arith.constant 0 : i32
      %dma_start3A_191 = tpu.memref_slice %arg2[%dma_start3A_190, %mul3A_2] : memref<50x4096xi32, #tpu.memory_space<hbm>> -> memref<50x128xi32, #tpu.memory_space<hbm>>
      %dma_start3A_192 = arith.constant 0 : i32
      %dma_start3A_193 = tpu.memref_slice %arg2[%dma_start3A_192, %mul3A_2] : memref<50x4096xi32, #tpu.memory_space<hbm>> -> memref<50x128xi32, #tpu.memory_space<hbm>>
      tpu.enqueue_dma source(%dma_start3A_193 : memref<50x128xi32, #tpu.memory_space<hbm>>) target(%arg5 : memref<50x128xi32, #tpu.memory_space<vmem>>) target_semaphore(%run_scoped3A : memref<!tpu.dma_semaphore, #tpu.memory_space<semaphore_mem>>)
      %dma_wait3A_194 = arith.constant 0 : i32
      %dma_wait3A_195 = tpu.memref_slice %arg2[%dma_wait3A_194, %mul3A_2] : memref<50x4096xi32, #tpu.memory_space<hbm>> -> memref<50x128xi32, #tpu.memory_space<hbm>>
      %dma_wait3A_196 = arith.constant 0 : i32
      %dma_wait3A_197 = tpu.memref_slice %arg2[%dma_wait3A_196, %mul3A_2] : memref<50x4096xi32, #tpu.memory_space<hbm>> -> memref<50x128xi32, #tpu.memory_space<hbm>>
      tpu.wait_dma2 semaphore(%run_scoped3A : memref<!tpu.dma_semaphore, #tpu.memory_space<semaphore_mem>>) src(%dma_wait3A_197 : memref<50x128xi32, #tpu.memory_space<hbm>>) dst(%arg5 : memref<50x128xi32, #tpu.memory_space<vmem>>)
      tpu.yield
    }) : () -> ()
    %dma_start3A = arith.constant 0 : i32
    %dma_start3A_3 = arith.constant 0 : i32
    %dma_start3A_4 = arith.constant 0 : i32
    %dma_start3A_5 = arith.constant 0 : i32
    %dma_start3A_6 = tpu.memref_slice %arg6[%dma_start3A_3, %dma_start3A_4, %dma_start3A_5] : memref<7x128x128xf32, #tpu.memory_space<vmem>> -> memref<1x128x128xf32, #tpu.memory_space<vmem>>
    %dma_start3A_7 = tpu.memref_squeeze %dma_start3A_6 : memref<1x128x128xf32, #tpu.memory_space<vmem>> -> memref<128x128xf32, #tpu.memory_space<vmem>>
    %dma_start3A_8 = arith.constant 0 : i32
    %dma_start3A_9 = tpu.memref_slice %arg5[%dma_start3A, %dma_start3A_8] : memref<50x128xi32, #tpu.memory_space<vmem>> -> memref<1x128xi32, #tpu.memory_space<vmem>>
    %dma_start3A_10 = tpu.memref_squeeze %dma_start3A_9 : memref<1x128xi32, #tpu.memory_space<vmem>> -> memref<128xi32, #tpu.memory_space<vmem>>
    %dma_start3A_11 = arith.constant 0 : i32
    %dma_start3A_12 = arith.constant 0 : i32
    %dma_start3A_13 = tpu.memref_slice %arg3[%dma_start3A_11, %dma_start3A_12] : memref<100000x128xf32, #tpu.memory_space<hbm>> -> memref<100000x128xf32, #tpu.memory_space<hbm>>
    tpu.enqueue_indirect_dma source(%dma_start3A_13 : memref<100000x128xf32, #tpu.memory_space<hbm>>) target(%dma_start3A_7 : memref<128x128xf32, #tpu.memory_space<vmem>>) offsets(%dma_start3A_10 : memref<128xi32, #tpu.memory_space<vmem>>) semaphore(%arg7 : memref<!tpu.dma_semaphore, #tpu.memory_space<semaphore_mem>>)
    %dma_start3A_14 = arith.constant 1 : i32
    %dma_start3A_15 = arith.constant 1 : i32
    %dma_start3A_16 = arith.constant 0 : i32
    %dma_start3A_17 = arith.constant 0 : i32
    %dma_start3A_18 = tpu.memref_slice %arg6[%dma_start3A_15, %dma_start3A_16, %dma_start3A_17] : memref<7x128x128xf32, #tpu.memory_space<vmem>> -> memref<1x128x128xf32, #tpu.memory_space<vmem>>
    %dma_start3A_19 = tpu.memref_squeeze %dma_start3A_18 : memref<1x128x128xf32, #tpu.memory_space<vmem>> -> memref<128x128xf32, #tpu.memory_space<vmem>>
    %dma_start3A_20 = arith.constant 0 : i32
    %dma_start3A_21 = tpu.memref_slice %arg5[%dma_start3A_14, %dma_start3A_20] : memref<50x128xi32, #tpu.memory_space<vmem>> -> memref<1x128xi32, #tpu.memory_space<vmem>>
    %dma_start3A_22 = tpu.memref_squeeze %dma_start3A_21 : memref<1x128xi32, #tpu.memory_space<vmem>> -> memref<128xi32, #tpu.memory_space<vmem>>
    %dma_start3A_23 = arith.constant 0 : i32
    %dma_start3A_24 = arith.constant 0 : i32
    %dma_start3A_25 = tpu.memref_slice %arg3[%dma_start3A_23, %dma_start3A_24] : memref<100000x128xf32, #tpu.memory_space<hbm>> -> memref<100000x128xf32, #tpu.memory_space<hbm>>
    tpu.enqueue_indirect_dma source(%dma_start3A_25 : memref<100000x128xf32, #tpu.memory_space<hbm>>) target(%dma_start3A_19 : memref<128x128xf32, #tpu.memory_space<vmem>>) offsets(%dma_start3A_22 : memref<128xi32, #tpu.memory_space<vmem>>) semaphore(%arg7 : memref<!tpu.dma_semaphore, #tpu.memory_space<semaphore_mem>>)
    %dma_start3A_26 = arith.constant 2 : i32
    %dma_start3A_27 = arith.constant 2 : i32
    %dma_start3A_28 = arith.constant 0 : i32
    %dma_start3A_29 = arith.constant 0 : i32
    %dma_start3A_30 = tpu.memref_slice %arg6[%dma_start3A_27, %dma_start3A_28, %dma_start3A_29] : memref<7x128x128xf32, #tpu.memory_space<vmem>> -> memref<1x128x128xf32, #tpu.memory_space<vmem>>
    %dma_start3A_31 = tpu.memref_squeeze %dma_start3A_30 : memref<1x128x128xf32, #tpu.memory_space<vmem>> -> memref<128x128xf32, #tpu.memory_space<vmem>>
    %dma_start3A_32 = arith.constant 0 : i32
    %dma_start3A_33 = tpu.memref_slice %arg5[%dma_start3A_26, %dma_start3A_32] : memref<50x128xi32, #tpu.memory_space<vmem>> -> memref<1x128xi32, #tpu.memory_space<vmem>>
    %dma_start3A_34 = tpu.memref_squeeze %dma_start3A_33 : memref<1x128xi32, #tpu.memory_space<vmem>> -> memref<128xi32, #tpu.memory_space<vmem>>
    %dma_start3A_35 = arith.constant 0 : i32
    %dma_start3A_36 = arith.constant 0 : i32
    %dma_start3A_37 = tpu.memref_slice %arg3[%dma_start3A_35, %dma_start3A_36] : memref<100000x128xf32, #tpu.memory_space<hbm>> -> memref<100000x128xf32, #tpu.memory_space<hbm>>
    tpu.enqueue_indirect_dma source(%dma_start3A_37 : memref<100000x128xf32, #tpu.memory_space<hbm>>) target(%dma_start3A_31 : memref<128x128xf32, #tpu.memory_space<vmem>>) offsets(%dma_start3A_34 : memref<128xi32, #tpu.memory_space<vmem>>) semaphore(%arg7 : memref<!tpu.dma_semaphore, #tpu.memory_space<semaphore_mem>>)
    %dma_start3A_38 = arith.constant 3 : i32
    %dma_start3A_39 = arith.constant 3 : i32
    %dma_start3A_40 = arith.constant 0 : i32
    %dma_start3A_41 = arith.constant 0 : i32
    %dma_start3A_42 = tpu.memref_slice %arg6[%dma_start3A_39, %dma_start3A_40, %dma_start3A_41] : memref<7x128x128xf32, #tpu.memory_space<vmem>> -> memref<1x128x128xf32, #tpu.memory_space<vmem>>
    %dma_start3A_43 = tpu.memref_squeeze %dma_start3A_42 : memref<1x128x128xf32, #tpu.memory_space<vmem>> -> memref<128x128xf32, #tpu.memory_space<vmem>>
    %dma_start3A_44 = arith.constant 0 : i32
    %dma_start3A_45 = tpu.memref_slice %arg5[%dma_start3A_38, %dma_start3A_44] : memref<50x128xi32, #tpu.memory_space<vmem>> -> memref<1x128xi32, #tpu.memory_space<vmem>>
    %dma_start3A_46 = tpu.memref_squeeze %dma_start3A_45 : memref<1x128xi32, #tpu.memory_space<vmem>> -> memref<128xi32, #tpu.memory_space<vmem>>
    %dma_start3A_47 = arith.constant 0 : i32
    %dma_start3A_48 = arith.constant 0 : i32
    %dma_start3A_49 = tpu.memref_slice %arg3[%dma_start3A_47, %dma_start3A_48] : memref<100000x128xf32, #tpu.memory_space<hbm>> -> memref<100000x128xf32, #tpu.memory_space<hbm>>
    tpu.enqueue_indirect_dma source(%dma_start3A_49 : memref<100000x128xf32, #tpu.memory_space<hbm>>) target(%dma_start3A_43 : memref<128x128xf32, #tpu.memory_space<vmem>>) offsets(%dma_start3A_46 : memref<128xi32, #tpu.memory_space<vmem>>) semaphore(%arg7 : memref<!tpu.dma_semaphore, #tpu.memory_space<semaphore_mem>>)
    %dma_start3A_50 = arith.constant 4 : i32
    %dma_start3A_51 = arith.constant 4 : i32
    %dma_start3A_52 = arith.constant 0 : i32
    %dma_start3A_53 = arith.constant 0 : i32
    %dma_start3A_54 = tpu.memref_slice %arg6[%dma_start3A_51, %dma_start3A_52, %dma_start3A_53] : memref<7x128x128xf32, #tpu.memory_space<vmem>> -> memref<1x128x128xf32, #tpu.memory_space<vmem>>
    %dma_start3A_55 = tpu.memref_squeeze %dma_start3A_54 : memref<1x128x128xf32, #tpu.memory_space<vmem>> -> memref<128x128xf32, #tpu.memory_space<vmem>>
    %dma_start3A_56 = arith.constant 0 : i32
    %dma_start3A_57 = tpu.memref_slice %arg5[%dma_start3A_50, %dma_start3A_56] : memref<50x128xi32, #tpu.memory_space<vmem>> -> memref<1x128xi32, #tpu.memory_space<vmem>>
    %dma_start3A_58 = tpu.memref_squeeze %dma_start3A_57 : memref<1x128xi32, #tpu.memory_space<vmem>> -> memref<128xi32, #tpu.memory_space<vmem>>
    %dma_start3A_59 = arith.constant 0 : i32
    %dma_start3A_60 = arith.constant 0 : i32
    %dma_start3A_61 = tpu.memref_slice %arg3[%dma_start3A_59, %dma_start3A_60] : memref<100000x128xf32, #tpu.memory_space<hbm>> -> memref<100000x128xf32, #tpu.memory_space<hbm>>
    tpu.enqueue_indirect_dma source(%dma_start3A_61 : memref<100000x128xf32, #tpu.memory_space<hbm>>) target(%dma_start3A_55 : memref<128x128xf32, #tpu.memory_space<vmem>>) offsets(%dma_start3A_58 : memref<128xi32, #tpu.memory_space<vmem>>) semaphore(%arg7 : memref<!tpu.dma_semaphore, #tpu.memory_space<semaphore_mem>>)
    %dma_start3A_62 = arith.constant 5 : i32
    %dma_start3A_63 = arith.constant 5 : i32
    %dma_start3A_64 = arith.constant 0 : i32
    %dma_start3A_65 = arith.constant 0 : i32
    %dma_start3A_66 = tpu.memref_slice %arg6[%dma_start3A_63, %dma_start3A_64, %dma_start3A_65] : memref<7x128x128xf32, #tpu.memory_space<vmem>> -> memref<1x128x128xf32, #tpu.memory_space<vmem>>
    %dma_start3A_67 = tpu.memref_squeeze %dma_start3A_66 : memref<1x128x128xf32, #tpu.memory_space<vmem>> -> memref<128x128xf32, #tpu.memory_space<vmem>>
    %dma_start3A_68 = arith.constant 0 : i32
    %dma_start3A_69 = tpu.memref_slice %arg5[%dma_start3A_62, %dma_start3A_68] : memref<50x128xi32, #tpu.memory_space<vmem>> -> memref<1x128xi32, #tpu.memory_space<vmem>>
    %dma_start3A_70 = tpu.memref_squeeze %dma_start3A_69 : memref<1x128xi32, #tpu.memory_space<vmem>> -> memref<128xi32, #tpu.memory_space<vmem>>
    %dma_start3A_71 = arith.constant 0 : i32
    %dma_start3A_72 = arith.constant 0 : i32
    %dma_start3A_73 = tpu.memref_slice %arg3[%dma_start3A_71, %dma_start3A_72] : memref<100000x128xf32, #tpu.memory_space<hbm>> -> memref<100000x128xf32, #tpu.memory_space<hbm>>
    tpu.enqueue_indirect_dma source(%dma_start3A_73 : memref<100000x128xf32, #tpu.memory_space<hbm>>) target(%dma_start3A_67 : memref<128x128xf32, #tpu.memory_space<vmem>>) offsets(%dma_start3A_70 : memref<128xi32, #tpu.memory_space<vmem>>) semaphore(%arg7 : memref<!tpu.dma_semaphore, #tpu.memory_space<semaphore_mem>>)
    %scan3A = arith.constant 0 : i32
    %scan3A_74 = arith.constant 0 : i32
    %scan3A_75 = arith.constant 50 : i32
    %scan3A_76 = arith.addi %scan3A_74, %scan3A_75 : i32
    %scan3A_77 = arith.constant 1 : i32
    scf.for %scan3A_190 = %scan3A_74 to %scan3A_76 step %scan3A_77  : i32 {
      %jit3A = arith.constant 7 : i32
      %eq3A = arith.constant 0 : i32
      %eq3A_191 = arith.cmpi eq, %jit3A, %eq3A : i32
      %jit3A_192 = arith.constant 1 : i32
      %select_n3A = arith.select %eq3A_191, %jit3A_192, %jit3A : i32
      %rem3A = arith.remsi %scan3A_190, %select_n3A : i32
      %ne3A = arith.constant 0 : i32
      %ne3A_193 = arith.cmpi ne, %rem3A, %ne3A : i32
      %lt3A = arith.constant 0 : i32
      %lt3A_194 = arith.cmpi slt, %rem3A, %lt3A : i32
      %lt3A_195 = arith.constant 0 : i32
      %lt3A_196 = arith.cmpi slt, %select_n3A, %lt3A_195 : i32
      %ne3A_197 = arith.xori %lt3A_194, %lt3A_196 : i1
      %and3A = arith.andi %ne3A_197, %ne3A_193 : i1
      %add3A_198 = arith.addi %rem3A, %select_n3A : i32
      %select_n3A_199 = arith.select %and3A, %add3A_198, %rem3A : i32
      %dma_wait3A_200 = arith.constant 0 : i32
      %dma_wait3A_201 = arith.constant 0 : i32
      %dma_wait3A_202 = tpu.memref_slice %arg6[%select_n3A_199, %dma_wait3A_200, %dma_wait3A_201] : memref<7x128x128xf32, #tpu.memory_space<vmem>> -> memref<1x128x128xf32, #tpu.memory_space<vmem>>
      %dma_wait3A_203 = tpu.memref_squeeze %dma_wait3A_202 : memref<1x128x128xf32, #tpu.memory_space<vmem>> -> memref<128x128xf32, #tpu.memory_space<vmem>>
      %dma_wait3A_204 = arith.constant 0 : i32
      %dma_wait3A_205 = tpu.memref_slice %arg5[%scan3A_190, %dma_wait3A_204] : memref<50x128xi32, #tpu.memory_space<vmem>> -> memref<1x128xi32, #tpu.memory_space<vmem>>
      %dma_wait3A_206 = tpu.memref_squeeze %dma_wait3A_205 : memref<1x128xi32, #tpu.memory_space<vmem>> -> memref<128xi32, #tpu.memory_space<vmem>>
      %dma_wait3A_207 = arith.constant 0 : i32
      %dma_wait3A_208 = arith.constant 0 : i32
      %dma_wait3A_209 = tpu.memref_slice %arg3[%dma_wait3A_207, %dma_wait3A_208] : memref<100000x128xf32, #tpu.memory_space<hbm>> -> memref<100000x128xf32, #tpu.memory_space<hbm>>
      tpu.wait_indirect_dma semaphore(%arg7 : memref<!tpu.dma_semaphore, #tpu.memory_space<semaphore_mem>>) src(%dma_wait3A_209 : memref<100000x128xf32, #tpu.memory_space<hbm>>) dst(%dma_wait3A_203 : memref<128x128xf32, #tpu.memory_space<vmem>>)
      %jit3A_210 = arith.constant 7 : i32
      %eq3A_211 = arith.constant 0 : i32
      %eq3A_212 = arith.cmpi eq, %jit3A_210, %eq3A_211 : i32
      %jit3A_213 = arith.constant 1 : i32
      %select_n3A_214 = arith.select %eq3A_212, %jit3A_213, %jit3A_210 : i32
      %rem3A_215 = arith.remsi %scan3A_190, %select_n3A_214 : i32
      %ne3A_216 = arith.constant 0 : i32
      %ne3A_217 = arith.cmpi ne, %rem3A_215, %ne3A_216 : i32
      %lt3A_218 = arith.constant 0 : i32
      %lt3A_219 = arith.cmpi slt, %rem3A_215, %lt3A_218 : i32
      %lt3A_220 = arith.constant 0 : i32
      %lt3A_221 = arith.cmpi slt, %select_n3A_214, %lt3A_220 : i32
      %ne3A_222 = arith.xori %lt3A_219, %lt3A_221 : i1
      %and3A_223 = arith.andi %ne3A_222, %ne3A_217 : i1
      %add3A_224 = arith.addi %rem3A_215, %select_n3A_214 : i32
      %select_n3A_225 = arith.select %and3A_223, %add3A_224, %rem3A_215 : i32
      %dma_start3A_226 = arith.constant 0 : i32
      %dma_start3A_227 = arith.constant 0 : i32
      %dma_start3A_228 = tpu.memref_slice %arg6[%select_n3A_225, %dma_start3A_226, %dma_start3A_227] : memref<7x128x128xf32, #tpu.memory_space<vmem>> -> memref<1x128x128xf32, #tpu.memory_space<vmem>>
      %dma_start3A_229 = tpu.memref_squeeze %dma_start3A_228 : memref<1x128x128xf32, #tpu.memory_space<vmem>> -> memref<128x128xf32, #tpu.memory_space<vmem>>
      %dma_start3A_230 = arith.constant 0 : i32
      %dma_start3A_231 = tpu.memref_slice %arg4[%scan3A_190, %mul3A_2, %dma_start3A_230] : memref<50x4096x128xf32, #tpu.memory_space<hbm>> -> memref<1x128x128xf32, #tpu.memory_space<hbm>>
      %dma_start3A_232 = tpu.memref_squeeze %dma_start3A_231 : memref<1x128x128xf32, #tpu.memory_space<hbm>> -> memref<128x128xf32, #tpu.memory_space<hbm>>
      %dma_start3A_233 = arith.constant 0 : i32
      %dma_start3A_234 = tpu.memref_slice %arg4[%scan3A_190, %mul3A_2, %dma_start3A_233] : memref<50x4096x128xf32, #tpu.memory_space<hbm>> -> memref<1x128x128xf32, #tpu.memory_space<hbm>>
      %dma_start3A_235 = tpu.memref_squeeze %dma_start3A_234 : memref<1x128x128xf32, #tpu.memory_space<hbm>> -> memref<128x128xf32, #tpu.memory_space<hbm>>
      %dma_start3A_236 = arith.constant 0 : i32
      %dma_start3A_237 = arith.constant 0 : i32
      %dma_start3A_238 = tpu.memref_slice %arg6[%select_n3A_225, %dma_start3A_236, %dma_start3A_237] : memref<7x128x128xf32, #tpu.memory_space<vmem>> -> memref<1x128x128xf32, #tpu.memory_space<vmem>>
      %dma_start3A_239 = tpu.memref_squeeze %dma_start3A_238 : memref<1x128x128xf32, #tpu.memory_space<vmem>> -> memref<128x128xf32, #tpu.memory_space<vmem>>
      tpu.enqueue_dma source(%dma_start3A_239 : memref<128x128xf32, #tpu.memory_space<vmem>>) target(%dma_start3A_235 : memref<128x128xf32, #tpu.memory_space<hbm>>) target_semaphore(%arg8 : memref<!tpu.dma_semaphore, #tpu.memory_space<semaphore_mem>>)
      %add3A_240 = arith.constant 7 : i32
      %add3A_241 = arith.addi %scan3A_190, %add3A_240 : i32
      %sub3A = arith.constant 1 : i32
      %sub3A_242 = arith.subi %add3A_241, %sub3A : i32
      %lt3A_243 = arith.constant 50 : i32
      %lt3A_244 = arith.cmpi slt, %sub3A_242, %lt3A_243 : i32
      %convert_element_type3A = arith.extui %lt3A_244 : i1 to i32
      %cond3A = arith.constant 0 : i32
      %cond3A_245 = arith.cmpi ne, %convert_element_type3A, %cond3A : i32
      scf.if %cond3A_245 {
        %ge3A = arith.constant 1 : i32
        %ge3A_246 = arith.cmpi sge, %scan3A_190, %ge3A : i32
        %convert_element_type3A_247 = arith.extui %ge3A_246 : i1 to i32
        %cond3A_248 = arith.constant 0 : i32
        %cond3A_249 = arith.cmpi ne, %convert_element_type3A_247, %cond3A_248 : i32
        scf.if %cond3A_249 {
          %jit3A_280 = arith.constant 7 : i32
          %eq3A_281 = arith.constant 0 : i32
          %eq3A_282 = arith.cmpi eq, %jit3A_280, %eq3A_281 : i32
          %jit3A_283 = arith.constant 1 : i32
          %select_n3A_284 = arith.select %eq3A_282, %jit3A_283, %jit3A_280 : i32
          %rem3A_285 = arith.remsi %scan3A_190, %select_n3A_284 : i32
          %ne3A_286 = arith.constant 0 : i32
          %ne3A_287 = arith.cmpi ne, %rem3A_285, %ne3A_286 : i32
          %lt3A_288 = arith.constant 0 : i32
          %lt3A_289 = arith.cmpi slt, %rem3A_285, %lt3A_288 : i32
          %lt3A_290 = arith.constant 0 : i32
          %lt3A_291 = arith.cmpi slt, %select_n3A_284, %lt3A_290 : i32
          %ne3A_292 = arith.xori %lt3A_289, %lt3A_291 : i1
          %and3A_293 = arith.andi %ne3A_292, %ne3A_287 : i1
          %add3A_294 = arith.addi %rem3A_285, %select_n3A_284 : i32
          %select_n3A_295 = arith.select %and3A_293, %add3A_294, %rem3A_285 : i32
          %dma_wait3A_296 = arith.constant 0 : i32
          %dma_wait3A_297 = arith.constant 0 : i32
          %dma_wait3A_298 = tpu.memref_slice %arg6[%select_n3A_295, %dma_wait3A_296, %dma_wait3A_297] : memref<7x128x128xf32, #tpu.memory_space<vmem>> -> memref<1x128x128xf32, #tpu.memory_space<vmem>>
          %dma_wait3A_299 = tpu.memref_squeeze %dma_wait3A_298 : memref<1x128x128xf32, #tpu.memory_space<vmem>> -> memref<128x128xf32, #tpu.memory_space<vmem>>
          %dma_wait3A_300 = arith.constant 0 : i32
          %dma_wait3A_301 = tpu.memref_slice %arg4[%scan3A_190, %mul3A_2, %dma_wait3A_300] : memref<50x4096x128xf32, #tpu.memory_space<hbm>> -> memref<1x128x128xf32, #tpu.memory_space<hbm>>
          %dma_wait3A_302 = tpu.memref_squeeze %dma_wait3A_301 : memref<1x128x128xf32, #tpu.memory_space<hbm>> -> memref<128x128xf32, #tpu.memory_space<hbm>>
          %dma_wait3A_303 = arith.constant 0 : i32
          %dma_wait3A_304 = tpu.memref_slice %arg4[%scan3A_190, %mul3A_2, %dma_wait3A_303] : memref<50x4096x128xf32, #tpu.memory_space<hbm>> -> memref<1x128x128xf32, #tpu.memory_space<hbm>>
          %dma_wait3A_305 = tpu.memref_squeeze %dma_wait3A_304 : memref<1x128x128xf32, #tpu.memory_space<hbm>> -> memref<128x128xf32, #tpu.memory_space<hbm>>
          %dma_wait3A_306 = arith.constant 0 : i32
          %dma_wait3A_307 = arith.constant 0 : i32
          %dma_wait3A_308 = tpu.memref_slice %arg6[%select_n3A_295, %dma_wait3A_306, %dma_wait3A_307] : memref<7x128x128xf32, #tpu.memory_space<vmem>> -> memref<1x128x128xf32, #tpu.memory_space<vmem>>
          %dma_wait3A_309 = tpu.memref_squeeze %dma_wait3A_308 : memref<1x128x128xf32, #tpu.memory_space<vmem>> -> memref<128x128xf32, #tpu.memory_space<vmem>>
          tpu.wait_dma2 semaphore(%arg8 : memref<!tpu.dma_semaphore, #tpu.memory_space<semaphore_mem>>) src(%dma_wait3A_309 : memref<128x128xf32, #tpu.memory_space<vmem>>) dst(%dma_wait3A_305 : memref<128x128xf32, #tpu.memory_space<hbm>>)
        } else {
        }
        %add3A_250 = arith.constant 7 : i32
        %add3A_251 = arith.addi %scan3A_190, %add3A_250 : i32
        %sub3A_252 = arith.constant 1 : i32
        %sub3A_253 = arith.subi %add3A_251, %sub3A_252 : i32
        %jit3A_254 = arith.constant 7 : i32
        %eq3A_255 = arith.constant 0 : i32
        %eq3A_256 = arith.cmpi eq, %jit3A_254, %eq3A_255 : i32
        %jit3A_257 = arith.constant 1 : i32
        %select_n3A_258 = arith.select %eq3A_256, %jit3A_257, %jit3A_254 : i32
        %rem3A_259 = arith.remsi %sub3A_253, %select_n3A_258 : i32
        %ne3A_260 = arith.constant 0 : i32
        %ne3A_261 = arith.cmpi ne, %rem3A_259, %ne3A_260 : i32
        %lt3A_262 = arith.constant 0 : i32
        %lt3A_263 = arith.cmpi slt, %rem3A_259, %lt3A_262 : i32
        %lt3A_264 = arith.constant 0 : i32
        %lt3A_265 = arith.cmpi slt, %select_n3A_258, %lt3A_264 : i32
        %ne3A_266 = arith.xori %lt3A_263, %lt3A_265 : i1
        %and3A_267 = arith.andi %ne3A_266, %ne3A_261 : i1
        %add3A_268 = arith.addi %rem3A_259, %select_n3A_258 : i32
        %select_n3A_269 = arith.select %and3A_267, %add3A_268, %rem3A_259 : i32
        %dma_start3A_270 = arith.constant 0 : i32
        %dma_start3A_271 = arith.constant 0 : i32
        %dma_start3A_272 = tpu.memref_slice %arg6[%select_n3A_269, %dma_start3A_270, %dma_start3A_271] : memref<7x128x128xf32, #tpu.memory_space<vmem>> -> memref<1x128x128xf32, #tpu.memory_space<vmem>>
        %dma_start3A_273 = tpu.memref_squeeze %dma_start3A_272 : memref<1x128x128xf32, #tpu.memory_space<vmem>> -> memref<128x128xf32, #tpu.memory_space<vmem>>
        %dma_start3A_274 = arith.constant 0 : i32
        %dma_start3A_275 = tpu.memref_slice %arg5[%sub3A_253, %dma_start3A_274] : memref<50x128xi32, #tpu.memory_space<vmem>> -> memref<1x128xi32, #tpu.memory_space<vmem>>
        %dma_start3A_276 = tpu.memref_squeeze %dma_start3A_275 : memref<1x128xi32, #tpu.memory_space<vmem>> -> memref<128xi32, #tpu.memory_space<vmem>>
        %dma_start3A_277 = arith.constant 0 : i32
        %dma_start3A_278 = arith.constant 0 : i32
        %dma_start3A_279 = tpu.memref_slice %arg3[%dma_start3A_277, %dma_start3A_278] : memref<100000x128xf32, #tpu.memory_space<hbm>> -> memref<100000x128xf32, #tpu.memory_space<hbm>>
        tpu.enqueue_indirect_dma source(%dma_start3A_279 : memref<100000x128xf32, #tpu.memory_space<hbm>>) target(%dma_start3A_273 : memref<128x128xf32, #tpu.memory_space<vmem>>) offsets(%dma_start3A_276 : memref<128xi32, #tpu.memory_space<vmem>>) semaphore(%arg7 : memref<!tpu.dma_semaphore, #tpu.memory_space<semaphore_mem>>)
      } else {
      }
    }
    %scan3A_78 = arith.constant 50 : i32
    %dma_wait3A = arith.constant 0 : i32
    %dma_wait3A_79 = arith.constant 0 : i32
    %dma_wait3A_80 = arith.constant 0 : i32
    %dma_wait3A_81 = arith.constant 0 : i32
    %dma_wait3A_82 = tpu.memref_slice %arg6[%dma_wait3A, %dma_wait3A_80, %dma_wait3A_81] : memref<7x128x128xf32, #tpu.memory_space<vmem>> -> memref<1x128x128xf32, #tpu.memory_space<vmem>>
    %dma_wait3A_83 = tpu.memref_squeeze %dma_wait3A_82 : memref<1x128x128xf32, #tpu.memory_space<vmem>> -> memref<128x128xf32, #tpu.memory_space<vmem>>
    %dma_wait3A_84 = arith.constant 0 : i32
    %dma_wait3A_85 = tpu.memref_slice %arg4[%dma_wait3A_79, %mul3A_2, %dma_wait3A_84] : memref<50x4096x128xf32, #tpu.memory_space<hbm>> -> memref<1x128x128xf32, #tpu.memory_space<hbm>>
    %dma_wait3A_86 = tpu.memref_squeeze %dma_wait3A_85 : memref<1x128x128xf32, #tpu.memory_space<hbm>> -> memref<128x128xf32, #tpu.memory_space<hbm>>
    %dma_wait3A_87 = arith.constant 0 : i32
    %dma_wait3A_88 = tpu.memref_slice %arg4[%dma_wait3A_79, %mul3A_2, %dma_wait3A_87] : memref<50x4096x128xf32, #tpu.memory_space<hbm>> -> memref<1x128x128xf32, #tpu.memory_space<hbm>>
    %dma_wait3A_89 = tpu.memref_squeeze %dma_wait3A_88 : memref<1x128x128xf32, #tpu.memory_space<hbm>> -> memref<128x128xf32, #tpu.memory_space<hbm>>
    %dma_wait3A_90 = arith.constant 0 : i32
    %dma_wait3A_91 = arith.constant 0 : i32
    %dma_wait3A_92 = tpu.memref_slice %arg6[%dma_wait3A, %dma_wait3A_90, %dma_wait3A_91] : memref<7x128x128xf32, #tpu.memory_space<vmem>> -> memref<1x128x128xf32, #tpu.memory_space<vmem>>
    %dma_wait3A_93 = tpu.memref_squeeze %dma_wait3A_92 : memref<1x128x128xf32, #tpu.memory_space<vmem>> -> memref<128x128xf32, #tpu.memory_space<vmem>>
    tpu.wait_dma2 semaphore(%arg8 : memref<!tpu.dma_semaphore, #tpu.memory_space<semaphore_mem>>) src(%dma_wait3A_93 : memref<128x128xf32, #tpu.memory_space<vmem>>) dst(%dma_wait3A_89 : memref<128x128xf32, #tpu.memory_space<hbm>>)
    %dma_wait3A_94 = arith.constant 0 : i32
    %dma_wait3A_95 = arith.constant 0 : i32
    %dma_wait3A_96 = arith.constant 0 : i32
    %dma_wait3A_97 = arith.constant 0 : i32
    %dma_wait3A_98 = tpu.memref_slice %arg6[%dma_wait3A_94, %dma_wait3A_96, %dma_wait3A_97] : memref<7x128x128xf32, #tpu.memory_space<vmem>> -> memref<1x128x128xf32, #tpu.memory_space<vmem>>
    %dma_wait3A_99 = tpu.memref_squeeze %dma_wait3A_98 : memref<1x128x128xf32, #tpu.memory_space<vmem>> -> memref<128x128xf32, #tpu.memory_space<vmem>>
    %dma_wait3A_100 = arith.constant 0 : i32
    %dma_wait3A_101 = tpu.memref_slice %arg4[%dma_wait3A_95, %mul3A_2, %dma_wait3A_100] : memref<50x4096x128xf32, #tpu.memory_space<hbm>> -> memref<1x128x128xf32, #tpu.memory_space<hbm>>
    %dma_wait3A_102 = tpu.memref_squeeze %dma_wait3A_101 : memref<1x128x128xf32, #tpu.memory_space<hbm>> -> memref<128x128xf32, #tpu.memory_space<hbm>>
    %dma_wait3A_103 = arith.constant 0 : i32
    %dma_wait3A_104 = tpu.memref_slice %arg4[%dma_wait3A_95, %mul3A_2, %dma_wait3A_103] : memref<50x4096x128xf32, #tpu.memory_space<hbm>> -> memref<1x128x128xf32, #tpu.memory_space<hbm>>
    %dma_wait3A_105 = tpu.memref_squeeze %dma_wait3A_104 : memref<1x128x128xf32, #tpu.memory_space<hbm>> -> memref<128x128xf32, #tpu.memory_space<hbm>>
    %dma_wait3A_106 = arith.constant 0 : i32
    %dma_wait3A_107 = arith.constant 0 : i32
    %dma_wait3A_108 = tpu.memref_slice %arg6[%dma_wait3A_94, %dma_wait3A_106, %dma_wait3A_107] : memref<7x128x128xf32, #tpu.memory_space<vmem>> -> memref<1x128x128xf32, #tpu.memory_space<vmem>>
    %dma_wait3A_109 = tpu.memref_squeeze %dma_wait3A_108 : memref<1x128x128xf32, #tpu.memory_space<vmem>> -> memref<128x128xf32, #tpu.memory_space<vmem>>
    tpu.wait_dma2 semaphore(%arg8 : memref<!tpu.dma_semaphore, #tpu.memory_space<semaphore_mem>>) src(%dma_wait3A_109 : memref<128x128xf32, #tpu.memory_space<vmem>>) dst(%dma_wait3A_105 : memref<128x128xf32, #tpu.memory_space<hbm>>)
    %dma_wait3A_110 = arith.constant 0 : i32
    %dma_wait3A_111 = arith.constant 0 : i32
    %dma_wait3A_112 = arith.constant 0 : i32
    %dma_wait3A_113 = arith.constant 0 : i32
    %dma_wait3A_114 = tpu.memref_slice %arg6[%dma_wait3A_110, %dma_wait3A_112, %dma_wait3A_113] : memref<7x128x128xf32, #tpu.memory_space<vmem>> -> memref<1x128x128xf32, #tpu.memory_space<vmem>>
    %dma_wait3A_115 = tpu.memref_squeeze %dma_wait3A_114 : memref<1x128x128xf32, #tpu.memory_space<vmem>> -> memref<128x128xf32, #tpu.memory_space<vmem>>
    %dma_wait3A_116 = arith.constant 0 : i32
    %dma_wait3A_117 = tpu.memref_slice %arg4[%dma_wait3A_111, %mul3A_2, %dma_wait3A_116] : memref<50x4096x128xf32, #tpu.memory_space<hbm>> -> memref<1x128x128xf32, #tpu.memory_space<hbm>>
    %dma_wait3A_118 = tpu.memref_squeeze %dma_wait3A_117 : memref<1x128x128xf32, #tpu.memory_space<hbm>> -> memref<128x128xf32, #tpu.memory_space<hbm>>
    %dma_wait3A_119 = arith.constant 0 : i32
    %dma_wait3A_120 = tpu.memref_slice %arg4[%dma_wait3A_111, %mul3A_2, %dma_wait3A_119] : memref<50x4096x128xf32, #tpu.memory_space<hbm>> -> memref<1x128x128xf32, #tpu.memory_space<hbm>>
    %dma_wait3A_121 = tpu.memref_squeeze %dma_wait3A_120 : memref<1x128x128xf32, #tpu.memory_space<hbm>> -> memref<128x128xf32, #tpu.memory_space<hbm>>
    %dma_wait3A_122 = arith.constant 0 : i32
    %dma_wait3A_123 = arith.constant 0 : i32
    %dma_wait3A_124 = tpu.memref_slice %arg6[%dma_wait3A_110, %dma_wait3A_122, %dma_wait3A_123] : memref<7x128x128xf32, #tpu.memory_space<vmem>> -> memref<1x128x128xf32, #tpu.memory_space<vmem>>
    %dma_wait3A_125 = tpu.memref_squeeze %dma_wait3A_124 : memref<1x128x128xf32, #tpu.memory_space<vmem>> -> memref<128x128xf32, #tpu.memory_space<vmem>>
    tpu.wait_dma2 semaphore(%arg8 : memref<!tpu.dma_semaphore, #tpu.memory_space<semaphore_mem>>) src(%dma_wait3A_125 : memref<128x128xf32, #tpu.memory_space<vmem>>) dst(%dma_wait3A_121 : memref<128x128xf32, #tpu.memory_space<hbm>>)
    %dma_wait3A_126 = arith.constant 0 : i32
    %dma_wait3A_127 = arith.constant 0 : i32
    %dma_wait3A_128 = arith.constant 0 : i32
    %dma_wait3A_129 = arith.constant 0 : i32
    %dma_wait3A_130 = tpu.memref_slice %arg6[%dma_wait3A_126, %dma_wait3A_128, %dma_wait3A_129] : memref<7x128x128xf32, #tpu.memory_space<vmem>> -> memref<1x128x128xf32, #tpu.memory_space<vmem>>
    %dma_wait3A_131 = tpu.memref_squeeze %dma_wait3A_130 : memref<1x128x128xf32, #tpu.memory_space<vmem>> -> memref<128x128xf32, #tpu.memory_space<vmem>>
    %dma_wait3A_132 = arith.constant 0 : i32
    %dma_wait3A_133 = tpu.memref_slice %arg4[%dma_wait3A_127, %mul3A_2, %dma_wait3A_132] : memref<50x4096x128xf32, #tpu.memory_space<hbm>> -> memref<1x128x128xf32, #tpu.memory_space<hbm>>
    %dma_wait3A_134 = tpu.memref_squeeze %dma_wait3A_133 : memref<1x128x128xf32, #tpu.memory_space<hbm>> -> memref<128x128xf32, #tpu.memory_space<hbm>>
    %dma_wait3A_135 = arith.constant 0 : i32
    %dma_wait3A_136 = tpu.memref_slice %arg4[%dma_wait3A_127, %mul3A_2, %dma_wait3A_135] : memref<50x4096x128xf32, #tpu.memory_space<hbm>> -> memref<1x128x128xf32, #tpu.memory_space<hbm>>
    %dma_wait3A_137 = tpu.memref_squeeze %dma_wait3A_136 : memref<1x128x128xf32, #tpu.memory_space<hbm>> -> memref<128x128xf32, #tpu.memory_space<hbm>>
    %dma_wait3A_138 = arith.constant 0 : i32
    %dma_wait3A_139 = arith.constant 0 : i32
    %dma_wait3A_140 = tpu.memref_slice %arg6[%dma_wait3A_126, %dma_wait3A_138, %dma_wait3A_139] : memref<7x128x128xf32, #tpu.memory_space<vmem>> -> memref<1x128x128xf32, #tpu.memory_space<vmem>>
    %dma_wait3A_141 = tpu.memref_squeeze %dma_wait3A_140 : memref<1x128x128xf32, #tpu.memory_space<vmem>> -> memref<128x128xf32, #tpu.memory_space<vmem>>
    tpu.wait_dma2 semaphore(%arg8 : memref<!tpu.dma_semaphore, #tpu.memory_space<semaphore_mem>>) src(%dma_wait3A_141 : memref<128x128xf32, #tpu.memory_space<vmem>>) dst(%dma_wait3A_137 : memref<128x128xf32, #tpu.memory_space<hbm>>)
    %dma_wait3A_142 = arith.constant 0 : i32
    %dma_wait3A_143 = arith.constant 0 : i32
    %dma_wait3A_144 = arith.constant 0 : i32
    %dma_wait3A_145 = arith.constant 0 : i32
    %dma_wait3A_146 = tpu.memref_slice %arg6[%dma_wait3A_142, %dma_wait3A_144, %dma_wait3A_145] : memref<7x128x128xf32, #tpu.memory_space<vmem>> -> memref<1x128x128xf32, #tpu.memory_space<vmem>>
    %dma_wait3A_147 = tpu.memref_squeeze %dma_wait3A_146 : memref<1x128x128xf32, #tpu.memory_space<vmem>> -> memref<128x128xf32, #tpu.memory_space<vmem>>
    %dma_wait3A_148 = arith.constant 0 : i32
    %dma_wait3A_149 = tpu.memref_slice %arg4[%dma_wait3A_143, %mul3A_2, %dma_wait3A_148] : memref<50x4096x128xf32, #tpu.memory_space<hbm>> -> memref<1x128x128xf32, #tpu.memory_space<hbm>>
    %dma_wait3A_150 = tpu.memref_squeeze %dma_wait3A_149 : memref<1x128x128xf32, #tpu.memory_space<hbm>> -> memref<128x128xf32, #tpu.memory_space<hbm>>
    %dma_wait3A_151 = arith.constant 0 : i32
    %dma_wait3A_152 = tpu.memref_slice %arg4[%dma_wait3A_143, %mul3A_2, %dma_wait3A_151] : memref<50x4096x128xf32, #tpu.memory_space<hbm>> -> memref<1x128x128xf32, #tpu.memory_space<hbm>>
    %dma_wait3A_153 = tpu.memref_squeeze %dma_wait3A_152 : memref<1x128x128xf32, #tpu.memory_space<hbm>> -> memref<128x128xf32, #tpu.memory_space<hbm>>
    %dma_wait3A_154 = arith.constant 0 : i32
    %dma_wait3A_155 = arith.constant 0 : i32
    %dma_wait3A_156 = tpu.memref_slice %arg6[%dma_wait3A_142, %dma_wait3A_154, %dma_wait3A_155] : memref<7x128x128xf32, #tpu.memory_space<vmem>> -> memref<1x128x128xf32, #tpu.memory_space<vmem>>
    %dma_wait3A_157 = tpu.memref_squeeze %dma_wait3A_156 : memref<1x128x128xf32, #tpu.memory_space<vmem>> -> memref<128x128xf32, #tpu.memory_space<vmem>>
    tpu.wait_dma2 semaphore(%arg8 : memref<!tpu.dma_semaphore, #tpu.memory_space<semaphore_mem>>) src(%dma_wait3A_157 : memref<128x128xf32, #tpu.memory_space<vmem>>) dst(%dma_wait3A_153 : memref<128x128xf32, #tpu.memory_space<hbm>>)
    %dma_wait3A_158 = arith.constant 0 : i32
    %dma_wait3A_159 = arith.constant 0 : i32
    %dma_wait3A_160 = arith.constant 0 : i32
    %dma_wait3A_161 = arith.constant 0 : i32
    %dma_wait3A_162 = tpu.memref_slice %arg6[%dma_wait3A_158, %dma_wait3A_160, %dma_wait3A_161] : memref<7x128x128xf32, #tpu.memory_space<vmem>> -> memref<1x128x128xf32, #tpu.memory_space<vmem>>
    %dma_wait3A_163 = tpu.memref_squeeze %dma_wait3A_162 : memref<1x128x128xf32, #tpu.memory_space<vmem>> -> memref<128x128xf32, #tpu.memory_space<vmem>>
    %dma_wait3A_164 = arith.constant 0 : i32
    %dma_wait3A_165 = tpu.memref_slice %arg4[%dma_wait3A_159, %mul3A_2, %dma_wait3A_164] : memref<50x4096x128xf32, #tpu.memory_space<hbm>> -> memref<1x128x128xf32, #tpu.memory_space<hbm>>
    %dma_wait3A_166 = tpu.memref_squeeze %dma_wait3A_165 : memref<1x128x128xf32, #tpu.memory_space<hbm>> -> memref<128x128xf32, #tpu.memory_space<hbm>>
    %dma_wait3A_167 = arith.constant 0 : i32
    %dma_wait3A_168 = tpu.memref_slice %arg4[%dma_wait3A_159, %mul3A_2, %dma_wait3A_167] : memref<50x4096x128xf32, #tpu.memory_space<hbm>> -> memref<1x128x128xf32, #tpu.memory_space<hbm>>
    %dma_wait3A_169 = tpu.memref_squeeze %dma_wait3A_168 : memref<1x128x128xf32, #tpu.memory_space<hbm>> -> memref<128x128xf32, #tpu.memory_space<hbm>>
    %dma_wait3A_170 = arith.constant 0 : i32
    %dma_wait3A_171 = arith.constant 0 : i32
    %dma_wait3A_172 = tpu.memref_slice %arg6[%dma_wait3A_158, %dma_wait3A_170, %dma_wait3A_171] : memref<7x128x128xf32, #tpu.memory_space<vmem>> -> memref<1x128x128xf32, #tpu.memory_space<vmem>>
    %dma_wait3A_173 = tpu.memref_squeeze %dma_wait3A_172 : memref<1x128x128xf32, #tpu.memory_space<vmem>> -> memref<128x128xf32, #tpu.memory_space<vmem>>
    tpu.wait_dma2 semaphore(%arg8 : memref<!tpu.dma_semaphore, #tpu.memory_space<semaphore_mem>>) src(%dma_wait3A_173 : memref<128x128xf32, #tpu.memory_space<vmem>>) dst(%dma_wait3A_169 : memref<128x128xf32, #tpu.memory_space<hbm>>)
    %dma_wait3A_174 = arith.constant 0 : i32
    %dma_wait3A_175 = arith.constant 0 : i32
    %dma_wait3A_176 = arith.constant 0 : i32
    %dma_wait3A_177 = arith.constant 0 : i32
    %dma_wait3A_178 = tpu.memref_slice %arg6[%dma_wait3A_174, %dma_wait3A_176, %dma_wait3A_177] : memref<7x128x128xf32, #tpu.memory_space<vmem>> -> memref<1x128x128xf32, #tpu.memory_space<vmem>>
    %dma_wait3A_179 = tpu.memref_squeeze %dma_wait3A_178 : memref<1x128x128xf32, #tpu.memory_space<vmem>> -> memref<128x128xf32, #tpu.memory_space<vmem>>
    %dma_wait3A_180 = arith.constant 0 : i32
    %dma_wait3A_181 = tpu.memref_slice %arg4[%dma_wait3A_175, %mul3A_2, %dma_wait3A_180] : memref<50x4096x128xf32, #tpu.memory_space<hbm>> -> memref<1x128x128xf32, #tpu.memory_space<hbm>>
    %dma_wait3A_182 = tpu.memref_squeeze %dma_wait3A_181 : memref<1x128x128xf32, #tpu.memory_space<hbm>> -> memref<128x128xf32, #tpu.memory_space<hbm>>
    %dma_wait3A_183 = arith.constant 0 : i32
    %dma_wait3A_184 = tpu.memref_slice %arg4[%dma_wait3A_175, %mul3A_2, %dma_wait3A_183] : memref<50x4096x128xf32, #tpu.memory_space<hbm>> -> memref<1x128x128xf32, #tpu.memory_space<hbm>>
    %dma_wait3A_185 = tpu.memref_squeeze %dma_wait3A_184 : memref<1x128x128xf32, #tpu.memory_space<hbm>> -> memref<128x128xf32, #tpu.memory_space<hbm>>
    %dma_wait3A_186 = arith.constant 0 : i32
    %dma_wait3A_187 = arith.constant 0 : i32
    %dma_wait3A_188 = tpu.memref_slice %arg6[%dma_wait3A_174, %dma_wait3A_186, %dma_wait3A_187] : memref<7x128x128xf32, #tpu.memory_space<vmem>> -> memref<1x128x128xf32, #tpu.memory_space<vmem>>
    %dma_wait3A_189 = tpu.memref_squeeze %dma_wait3A_188 : memref<1x128x128xf32, #tpu.memory_space<vmem>> -> memref<128x128xf32, #tpu.memory_space<vmem>>
    tpu.wait_dma2 semaphore(%arg8 : memref<!tpu.dma_semaphore, #tpu.memory_space<semaphore_mem>>) src(%dma_wait3A_189 : memref<128x128xf32, #tpu.memory_space<vmem>>) dst(%dma_wait3A_185 : memref<128x128xf32, #tpu.memory_space<hbm>>)
    return
  }
}

</mosaic_0001>

<sc_bundles>
// kernel: kernel.3.cloned.1.call-start
scs
__scs_entry_jumppad:
0x0: {  	(pc) =	sbr.rel $0x88, $3  }
0x1: {  	(tag) =	ssettag $0x0;
	lr =	simm.s32 $0x1  }
0x2: {  	[smem:$0x3F9F] =	sst lr;
	_ =	strace $0xD0000000  }
0x3: {  	_ = 	snop  }
0x4: {  	_ = 	snop  }
0x5: {  	_ = 	snop  }
0x6: {  	_ = 	snop  }
0x7: {  	_ = 	snop  }
__scs_overlays_trampoline_lowered:
0x8: {  	[smem:$0x3FAE] =	sst s0  }
0x9: {  	[smem:$0x3FAF] =	sst s1  }
0xa: {  	[smem:$0x3FB0] =	sst s2  }
0xb: {  	[smem:$0x3FB1] =	sst s3  }
0xc: {  	[smem:$0x3FB2] =	sst s4  }
0xd: {  	[smem:$0x3FB3] =	sst s5  }
0xe: {  	[smem:$0x3FB4] =	sst s6  }
0xf: {  	[smem:$0x3FB5] =	sst s7  }
0x10: {  	[smem:$0x3FB6] =	sst s8  }
0x11: {  	[smem:$0x3FB7] =	sst s9;
	s0 =	simm.s32 @!p0 $0x0  }
0x12: {  	s1 =	sld [smem:$0x3F9D];
	s0 =	simm.s32 @p0 $0x1  }
0x13: {  	[smem:$0x3FB8] =	sst s0;
	s0 =	simm.s32 @!p1 $0x0  }
0x14: {  	s2 =	sld [smem:$0x3F9C];
	s0 =	simm.s32 @p1 $0x1  }
0x15: {  	[smem:$0x3FB9] =	sst s0;
	s0 =	simm.s32 @!p2 $0x0  }
0x16: {  	s3 =	sld [smem:$0x3FDB];
	s0 =	simm.s32 @p2 $0x1  }
0x17: {  	s4 =	simm.s32 $0x1BF5;
	[smem:$0x3FBB] =	sst s0  }
0x18: {  	s0 =	sld [smem:$0x3F9E];
	_ =	swait.ge [sflag:s4], $0x0  }
0x19: {  	s7 =	sld [smem:$0x3F9F]  }
0x1a: {  	s8 =	sadd.s32 $0xFFFFE003, lr  }
0x1b: {  	s9 =	sadd.s32 $0xFFFFFEF7, lr;
	s5 =	simm.s32 $0xFFFFFFFF;
	p2 =	slt.u32 s8, $0xFFFFF086  }
0x1c: {  	p1 =	slt.u32 s9, $0xF7A;
	s5 =	simm.s32 @!p2 $0x0  }
0x1d: {  	s5 =	simm.s32 @p1 $0x1;
	p0 =	seq.s32 s7, s2  }
0x1e: {  	s7 =	smul.u32 @!p0 $0xF7A, s2;
	p2 =	seq.s32 @!p0 s5, $0x0  }
0x1f: {  	s9 =	smul.u32 $0xF7A, s1;
	s8 =	simm.s32 @!p0 $0x1BF5;
	p2 =	por !p2, p0  }
0x20: {  	[sflag:s8] =	ssyncset.s32 @!p0 $0xFFFFF086;
	s6 =	sadd.s32 @!p0 s3, s7;
	s7 =	simm.s32 @!p0 $0x108  }
0x21: {  	s3 =	sadd.s32 s3, s9;
	s6 =	sadd.s32 @!p0 $0x88, s6;
	s7 =	simm.s32 @p2 $0x1082  }
0x22: {  	[simem:s7], [sflag:s8] =	dma.local @!p0 [hbm:s6], $0xF7A  }
0x23: {  	s9 =	sor.u32 $0xD0000000, s2;
	s6 =	simm.s32 $0x108;
	_ =	swait.ge @!p0 [sflag:s8], $0x0  }
0x24: {  	s3 =	sadd.s32 $0x88, s3;
	s6 =	simm.s32 @!p1 $0x1082;
	[sflag:s4] =	ssyncset.s32 $0xFFFFF086  }
0x25: {  	[simem:s6], [sflag:s4] =	dma.local [hbm:s3], $0xF7A  }
0x26: {  	[smem:$0x3F9F] =	sst s1;
	(tag) =	ssettag s2;
	_ =	strace s9  }
0x27: {  	s1 =	sld [smem:$0x3FAF]  }
0x28: {  	s2 =	sld [smem:$0x3FB0]  }
0x29: {  	s4 =	sld [smem:$0x3FB2]  }
0x2a: {  	p0 =	seq.s32 s5, $0x0;
	s5 =	sld [smem:$0x3FB3]  }
0x2b: {  	s6 =	sld [smem:$0x3FB4]  }
0x2c: {  	s7 =	sld [smem:$0x3FB5]  }
0x2d: {  	s3 =	simm.s32 $0x108;
	s8 =	sld [smem:$0x3FB6]  }
0x2e: {  	s3 =	simm.s32 @!p0 $0x1082;
	s9 =	sld [smem:$0x3FB7]  }
0x2f: {  	lr =	sadd.s32 s0, s3;
	s0 =	sld [smem:$0x3FAE]  }
0x30: {  	s3 =	sld [smem:$0x3FB1]  }
0x31: {  	[smem:$0x3FBA] =	sst s10  }
0x32: {  	s10 =	sld [smem:$0x3FB8];
	_ =	sdelay $0x3  }
0x33: {  	p0 =	seq.s32 s10, $0x1;
	s10 =	sld [smem:$0x3FBA];
	_ =	sdelay $0x3  }
0x34: {  	[smem:$0x3FBA] =	sst s10  }
0x35: {  	s10 =	sld [smem:$0x3FB9];
	_ =	sdelay $0x3  }
0x36: {  	p1 =	seq.s32 s10, $0x1;
	s10 =	sld [smem:$0x3FBA];
	_ =	sdelay $0x3  }
0x37: {  	[smem:$0x3FBA] =	sst s10  }
0x38: {  	s10 =	sld [smem:$0x3FBB]  }
0x39: {  	_ = 	snop;
	(pc) =	sbr.ind lr, $3  }
0x3a: {  	_ = 	snop  }
0x3b: {  	_ = 	snop  }
0x3c: {  	p2 =	seq.s32 s10, $0x1;
	s10 =	sld [smem:$0x3FBA]  }
0x3d: {  	_ =	shalt  }
0x3e: {  	_ =	shalt  }
0x3f: {  	_ =	shalt  }
0x40: {  	_ =	shalt  }
0x41: {  	_ =	shalt  }
0x42: {  	_ =	shalt  }
0x43: {  	_ =	shalt  }
0x44: {  	_ =	shalt  }
0x45: {  	_ =	shalt  }
0x46: {  	_ =	shalt  }
0x47: {  	_ =	shalt  }
0x48: {  	_ =	shalt  }
0x49: {  	_ =	shalt  }
0x4a: {  	_ =	shalt  }
0x4b: {  	_ =	shalt  }
0x4c: {  	_ =	shalt  }
0x4d: {  	_ =	shalt  }
0x4e: {  	_ =	shalt  }
0x4f: {  	_ =	shalt  }
0x50: {  	_ =	shalt  }
0x51: {  	_ =	shalt  }
0x52: {  	_ =	shalt  }
0x53: {  	_ =	shalt  }
0x54: {  	_ =	shalt  }
0x55: {  	_ =	shalt  }
0x56: {  	_ =	shalt  }
0x57: {  	_ =	shalt  }
0x58: {  	_ =	shalt  }
0x59: {  	_ =	shalt  }
0x5a: {  	_ =	shalt  }
0x5b: {  	_ =	shalt  }
0x5c: {  	_ =	shalt  }
0x5d: {  	_ =	shalt  }
0x5e: {  	_ =	shalt  }
0x5f: {  	_ =	shalt  }
0x60: {  	_ =	shalt  }
0x61: {  	_ =	shalt  }
0x62: {  	_ =	shalt  }
0x63: {  	_ =	shalt  }
0x64: {  	_ =	shalt  }
0x65: {  	_ =	shalt  }
0x66: {  	_ =	shalt  }
0x67: {  	_ =	shalt  }
0x68: {  	_ =	shalt  }
0x69: {  	_ =	shalt  }
0x6a: {  	_ =	shalt  }
0x6b: {  	_ =	shalt  }
0x6c: {  	_ =	shalt  }
0x6d: {  	_ =	shalt  }
0x6e: {  	_ =	shalt  }
0x6f: {  	_ =	shalt  }
0x70: {  	_ =	shalt  }
0x71: {  	_ =	shalt  }
0x72: {  	_ =	shalt  }
0x73: {  	_ =	shalt  }
0x74: {  	_ =	shalt  }
0x75: {  	_ =	shalt  }
0x76: {  	_ =	shalt  }
0x77: {  	_ =	shalt  }
0x78: {  	_ =	shalt  }
0x79: {  	_ =	shalt  }
0x7a: {  	_ =	shalt  }
0x7b: {  	_ =	shalt  }
0x7c: {  	_ =	shalt  }
0x7d: {  	_ =	shalt  }
0x7e: {  	_ =	shalt  }
0x7f: {  	_ =	shalt  }
0x80: {  	_ =	shalt  }
0x81: {  	_ =	shalt  }
0x82: {  	_ =	shalt  }
0x83: {  	_ =	shalt  }
0x84: {  	_ =	shalt  }
0x85: {  	_ =	shalt  }
0x86: {  	_ =	shalt  }
0x87: {  	_ =	shalt  }
.Lfunc_end0:
.L_simem_size_0:
called_computation_lowered:
.L_overlay_start_0:
0x88: {  	s2 =	sld [smem:$0x3FD9]  }
0x89: {  	s3 =	sld [smem:$0x3FFE];
	_ =	sdelay $0x1  }
0x8a: {  	s1 =	srdreg.scid  }
0x8b: {  	s0 =	sand.u32 $0x1, s1  }
0x8c: {  	s18 =	sshll.u32 s0, $0xA;
	s2 =	sadd.s32 s3, s2  }
0x8d: {  	s2 =	sadd.s32 s2, s18  }
0x8e: {  	[smem:$0x3FC6] =	sst s2  }
0x8f: {  	_ = 	snop  }
0x90: {  	s2 =	sld [smem:$0x3FC9]  }
0x91: {  	s19 =	sld [smem:$0x3FC8]  }
0x92: {  	s4 =	sld [smem:$0x3FD0];
	(tm) =	ssettm $0x1  }
0x93: {  	s5 =	sld [smem:$0x3FFB];
	_ =	sdelay $0x3  }
0x94: {  	_ =	strace s5  }
0x95: {  	s5 =	sld [smem:$0x3FFC];
	_ =	sdelay $0x3  }
0x96: {  	_ =	strace s5  }
0x97: {  	s5 =	sld [smem:$0x3FFD];
	_ =	sdelay $0x3  }
0x98: {  	_ =	strace s5  }
0x99: {  	_ =	strace $0x8FFFFFFF  }
0x9a: {  	s20 =	sld [smem:$0x3FDB];
	_ =	sdelay $0x1  }
0x9b: {  	s6 =	simm.s32 $_scs_section_size  }
0x9c: {  	s7 =	simm.s32 $_size__tile_overlayer_lowered;
	s8 =	simm.s32 $_tile_overlayer_lowered  }
0x9d: {  	s23 =	simm.s32 $0x1BFF;
	s22 =	sshll.u32 s8, $0x1;
	s5 =	sadd.s32 s6, s20  }
0x9e: {  	s9 =	simm.s32 $0x0;
	s21 =	sshll.u32 s7, $0x1;
	s7 =	sadd.s32 s22, s5  }
0x9f: {  	[timem:s9], [sflag:s23] =	dma.local [hbm:s7], s21  }
0xa0: {  	_ =	swait.ge [sflag:s23], s21  }
0xa1: {  	s6 =	ssub.s32 $0x0, s21;
	[sflag:s23] =	ssyncset.done $0x0  }
0xa2: {  	[sflag:s23] =	ssyncadd.s32 s6;
	_ =	sdelay $0x1  }
0xa3: {  	s24 =	simm.s32 $0x1B8B  }
0xa4: {  	_ =	swait.ge [sflag:s24], $0x1  }
0xa5: {  	[sflag:s24] =	ssyncset.done $0x0  }
0xa6: {  	s25 =	simm.s32 $0x1B8E;
	[sflag:s24] =	ssyncadd.s32 $0xFFFFFFFF  }
0xa7: {  	s26 =	simm.s32 $execute0_lowered;
	[smem:$0x3FD2] =	sst s25  }
0xa8: {  	s6 =	sshll.u32 s26, $0x1;
	_ =	strace $0x80000046;
	[dreg:$0x1] =	wrdreg $0xFFFFFFFF  }
0xa9: {  	s28 =	simm.s32 $_size_execute0_lowered;
	s5 =	sadd.s32 s5, s6;
	[dreg:$0x0] =	wrdreg $0x0  }
0xaa: {  	s6 =	sshll.u32 s28, $0x1;
	[dreg:$0x2] =	wrdreg s5  }
0xab: {  	[dreg:$0x3] =	wrdreg s6  }
0xac: {  	[dreg:$0x4] =	wrdreg $0xC0  }
0xad: {  	_ =	task [dreg:s9], $0x5FFFF  }
0xae: {  	[dreg:$0x1] =	wrdreg $0xFFFFFFFF  }
0xaf: {  	[dreg:$0x0] =	wrdreg $0x60  }
0xb0: {  	[dreg:$0x2] =	wrdreg s2  }
0xb1: {  	[dreg:$0x3] =	wrdreg s19  }
0xb2: {  	[dreg:$0x4] =	wrdreg s4  }
0xb3: {  	[dreg:$0x5] =	wrdreg $0x9  }
0xb4: {  	_ =	task.clear_ibuf [dreg:s9], $0x6FFFF;
	_ =	strace $0x90000046  }
0xb5: {  	s29 =	simm.s32 $0x9;
	_ =	strace $0x80000048  }
0xb6: {  	_ =	swait.ge [sflag:s29], $0x1  }
0xb7: {  	[sflag:s29] =	ssyncadd.s32 $0xFFFFFFFF  }
0xb8: {  	_ =	strace $0x90000048  }
0xb9: {  	_ =	sfence  }
0xba: {  	s30 =	sld [smem:$0x0];
	_ =	sdelay $0x2  }
0xbb: {  	s31 =	sshll.u32 s1, $0xD;
	s1 =	sshrl.u32 s1, $0x2  }
0xbc: {  	s3 =	sand.u32 $0x4000, s31;
	s1 =	sadd.s32 s1, s30  }
0xbd: {  	s0 =	sor.u32 s3, s0;
	s1 =	sshll.u32 s1, $0x11  }
0xbe: {  	s0 =	sor.u32 s1, s0  }
0xbf: {  	s0 =	sadd.s32 $0x8F2B, s0  }
0xc0: {  	[sflag:s0] =	ssyncadd.remote.s32 $0x1  }
0xc1: {  	_ =	sfence.sel $0xFFFF  }
0xc2: {  	[dreg:$0x0] =	wrdreg $0xFFFFFFFF;
	(pc) =	sbr.abs _section_cstart, $3  }
0xc3: {  	[dreg:$0x1] =	wrdreg $0xFFFFFFFF  }
0xc4: {  	_ =	task.clear_ibuf [dreg:s9], $0x2FFFF;
	_ =	strace $0x9FFFFFFF  }
0xc5: {  	(tm) =	ssettm $0x7FFFFFFF  }
tec
execute0_lowered:
.L_overlay_start_1:
0x0: {  	(tag) =	ssettag $0x1  }
0x1: {  	s0 =	rddreg [dreg:$0x0]  }
0x2: {  	s1 =	rddreg [dreg:$0x1]  }
0x3: {  	s3 =	rddreg [dreg:$0x2];
	s2 =	simm.s32 $0x0  }
0x4: {  	s4 =	srdreg.scid;
	s9 =	stileid.u32;
	s11 =	simm.s32 $0x3  }
0x5: {  	s12 =	simm.s32 $0x80;
	s16 =	simm.s32 $0x9C00;
	s17 =	simm.s32 $0x180  }
0x6: {  	s18 =	simm.s32 $0xDC00;
	s19 =	simm.s32 $0x200;
	s20 =	simm.s32 $0x11C00  }
0x7: {  	s21 =	simm.s32 $0x280;
	s22 =	simm.s32 $0x15C00;
	s23 =	simm.s32 $0x1  }
0x8: {  	s24 =	simm.s32 $0x2;
	s25 =	simm.s32 $0x0;
	[smem:$0x7FF] =	sst s2  }
0x9: {  	s5 =	sand.u32 $0x1, s4;
	s7 =	sshll.u32 s9, $0x8;
	s29 =	sshll.u32 s9, $0xC  }
0xa: {  	_ =	strace $0x80000047;
	s4 =	ssub.s32 $0x2, s5;
	s8 =	sshll.u32 s5, $0x7  }
0xb: {  	s30 =	sadd.s32 s29, s3;
	s6 =	sshrl.u32 s4, $0x1;
	s28 =	sor.u32 s8, s7  }
0xc: {  	s31 =	sshll.u32 s5, $0xB;
	s6 =	ssub.s32 s4, s6;
	s4 =	sadd.s32 s0, s28  }
0xd: {  	s7 =	sadd.s32 s31, s30;
	s5 =	sadd.s32 $0x6000, s4;
	s6 =	smax.u32 s6, $0x1  }
.LBB2_1:
0xe: {  	s0 =	simm.s32 $0x400  }
0xf: {  	s3 =	simm.s32 $0x8000;
	s10 =	simm.s32 $0x1800;
	s26 =	smul.u32 $0x25, s2  }
0x10: {  	[tilespmem:s2], [sflag:$0x3] =	stream.strided.gather [hbm4b:s4+s0], $0x1800, s3, s0, $0x38;
	[tilespmem:$0x1DC00] =	vst v63  }
0x11: {  	p0 =	por $0x0, $0x0;
	s3 =	simm.s32 $0x6;
	s0 =	sshrl.u32 s26, $0x8  }
0x12: {  	[tilespmem:s10], [sflag:$0x3] =	stream.linear.gather [hbm4b:s5+s2], $0x100, $0x38;
	[tilespmem:$0x1DC00] =	vst v63  }
0x13: {  	s3 =	smul.u32 @!p0 $0x25, s3;
	s26 =	ssub.s32 $0x0, s0  }
0x14: {  	s13 =	simm.s32 $0x1C00;
	_ =	swait.ge [sflag:s11], $0x1900;
	s26 =	sand.u32 $0xFE, s26  }
0x15: {  	s3 =	sshrl.u32 @!p0 s3, $0x8;
	[sflag:s11] =	ssyncset.done $0x0;
	s26 =	sshrl.u32 s26, $0x1  }
0x16: {  	[sflag:s11] =	ssyncadd.s32 $0xFFFFE700;
	s0 =	sadd.s32 s0, s26;
	s26 =	ssub.s32 @!p0 $0x6, s3  }
0x17: {  	[tilespmem:s13], [sflag:$0x1] =	stream.indirect.gather [hbm4b:s1+s12], $0x80, s2, s12, $0xb8;
	[tilespmem:$0x1DC00] =	vst v63  }
0x18: {  	s14 =	simm.s32 $0x5C00;
	s26 =	sand.u32 @!p0 $0xFE, s26  }
0x19: {  	s15 =	simm.s32 $0x100;
	s28 =	simm.s32 $0x1;
	s26 =	sshrl.u32 @!p0 s26, $0x1  }
0x1a: {  	[tilespmem:s14], [sflag:$0x1] =	stream.indirect.gather [hbm4b:s1+s12], $0x80, s12, s12, $0xb8;
	[tilespmem:$0x1DC00] =	vst v63  }
0x1b: {  	s31 =	simm.s32 $0x2;
	s0 =	sand.u32 $0xFC, s0;
	s3 =	sadd.s32 @!p0 s3, s26  }
0x1c: {  	[tilespmem:s16], [sflag:$0x1] =	stream.indirect.gather [hbm4b:s1+s12], $0x80, s15, s12, $0xb8;
	[tilespmem:$0x1DC00] =	vst v63  }
0x1d: {  	s29 =	sadd.s32 $0x10000, s7;
	s0 =	sshrl.u32 s0, $0x2;
	s3 =	sand.u32 @!p0 $0xFC, s3  }
0x1e: {  	[tilespmem:s18], [sflag:$0x1] =	stream.indirect.gather [hbm4b:s1+s12], $0x80, s17, s12, $0xb8;
	[tilespmem:$0x1DC00] =	vst v63  }
0x1f: {  	p1 =	por @!p0 $0x1, $0x1;
	s0 =	smul.u32 $0x7, s0;
	s3 =	sshrl.u32 @!p0 s3, $0x2  }
0x20: {  	[tilespmem:s20], [sflag:$0x1] =	stream.indirect.gather [hbm4b:s1+s12], $0x80, s19, s12, $0xb8;
	[tilespmem:$0x1DC00] =	vst v63  }
0x21: {  	p1 =	por p1, p0;
	s0 =	ssub.s32 $0x0, s0;
	s3 =	smul.u32 @!p0 $0x7, s3  }
0x22: {  	[tilespmem:s22], [sflag:$0x1] =	stream.indirect.gather [hbm4b:s1+s12], $0x80, s21, s12, $0xb8;
	[tilespmem:$0x1DC00] =	vst v63  }
0x23: {  	s30 =	simm.s32 @!p1 $0x2;
	s0 =	sand.u32 $0xFF, s0;
	_ =	swait.ge [sflag:s23], $0x4000  }
0x24: {  	s0 =	sshll.u32 s0, $0xE;
	s3 =	ssub.s32 @!p0 $0x6, s3;
	[sflag:s23] =	ssyncset.done $0x0  }
0x25: {  	s0 =	sor.u32 $0x1C00, s0;
	s3 =	sand.u32 @!p0 $0xFF, s3;
	[sflag:s23] =	ssyncadd.s32 $0xFFFFC000  }
0x26: {  	[hbm4b:s7+s2] =	stream.linear.scatter [tilespmem:s0], [sflag:$0x2], $0x4000, $0x38;
	[tilespmem:$0x1DC00] =	vst v63  }
0x27: {  	s26 =	simm.s32 $0x300;
	s3 =	sshll.u32 @!p0 s3, $0xE;
	s0 =	smul.u32 $0x25, s28  }
.LBB2_2:
0x28: {  	s3 =	sor.u32 @!p0 $0x1C00, s3;
	s8 =	smov.u32 s28  }
0x29: {  	s28 =	smov.u32 s31;
	s31 =	sadd.s32 $0x1, s31;
	s9 =	smov.u32 s26  }
0x2a: {  	s26 =	sadd.s32 $0x80, s26;
	p3 =	por p0, p0;
	p4 =	por p1, p1  }
0x2b: {  	s0 =	sshrl.u32 s0, $0x8;
	s10 =	smov.u32 s29;
	p2 =	sne.s32 s31, $0x32  }
0x2c: {  	s13 =	ssub.s32 s8, s0;
	s14 =	sadd.s32 $0x6, s8;
	p0 =	sgt.u32 s8, $0x2B  }
0x2d: {  	s13 =	sand.u32 $0xFE, s13;
	p1 =	seq.s32 @!p0 s8, $0x0;
	s15 =	smul.u32 @!p0 $0x25, s14  }
0x2e: {  	s13 =	sshrl.u32 s13, $0x1;
	p1 =	por p1, p0  }
0x2f: {  	s0 =	sadd.s32 s0, s13;
	s13 =	sshrl.u32 @!p0 s15, $0x8  }
0x30: {  	s0 =	sand.u32 $0xFC, s0;
	s15 =	ssub.s32 @!p0 s14, s13  }
0x31: {  	s0 =	sshrl.u32 s0, $0x2;
	s15 =	sand.u32 @!p0 $0xFE, s15  }
0x32: {  	s0 =	smul.u32 $0x7, s0;
	s15 =	sshrl.u32 @!p0 s15, $0x1  }
0x33: {  	s13 =	sadd.s32 @!p0 s13, s15;
	s15 =	simm.s32 @!p3 $0x80;
	_ =	swait.ge @!p4 [sflag:s30], $0x4000  }
0x34: {  	s0 =	ssub.s32 s8, s0;
	s8 =	sand.u32 @!p0 $0xFC, s13;
	[sflag:s30] =	ssyncset.done @!p4 $0x0  }
0x35: {  	s0 =	sand.u32 $0xFF, s0;
	s8 =	sshrl.u32 @!p0 s8, $0x2;
	[sflag:s30] =	ssyncadd.s32 @!p4 $0xFFFFC000  }
0x36: {  	s29 =	sadd.s32 $0x10000, s29;
	s13 =	sshll.u32 s0, $0xE;
	s0 =	smul.u32 @!p0 $0x7, s8  }
0x37: {  	[tilespmem:s3], [sflag:$0x1] =	stream.indirect.gather @!p3 [hbm4b:s1+s15], $0x80, s9, s15, $0xb8;
	[tilespmem:$0x1DC00] =	vst v63  }
.Ltmp0:
0x38: {  	_ = 	snop;
	(pc) =	sbr.rel @p2 .LBB2_2-.Ltmp0, $4  }
0x39: {  	s30 =	simm.s32 @!p1 $0x2;
	s3 =	ssub.s32 @!p0 s14, s0;
	_ =	swait.ge [sflag:s23], $0x4000  }
0x3a: {  	s0 =	smul.u32 $0x25, s28;
	s3 =	sand.u32 @!p0 $0xFF, s3;
	[sflag:s23] =	ssyncset.done $0x0  }
0x3b: {  	s8 =	sor.u32 $0x1C00, s13;
	s3 =	sshll.u32 @!p0 s3, $0xE;
	[sflag:s23] =	ssyncadd.s32 $0xFFFFC000  }
0x3c: {  	[hbm4b:s10+s2] =	stream.linear.scatter [tilespmem:s8], [sflag:$0x2], $0x4000, $0x38;
	[tilespmem:$0x1DC00] =	vst v63  }
0x3d: {  	s0 =	sshrl.u32 s0, $0x8  }
0x3e: {  	s8 =	ssub.s32 s28, s0  }
0x3f: {  	s9 =	sadd.s32 $0x6, s28;
	p2 =	sgt.u32 s28, $0x2B;
	s8 =	sand.u32 $0xFE, s8  }
0x40: {  	s3 =	sor.u32 @!p0 $0x1C00, s3;
	s10 =	smul.u32 @!p2 $0x25, s9;
	s8 =	sshrl.u32 s8, $0x1  }
0x41: {  	p3 =	por p0, p0;
	p1 =	por p1, p1;
	s0 =	sadd.s32 s0, s8  }
0x42: {  	p0 =	seq.s32 @!p2 s28, $0x0;
	s8 =	sshrl.u32 @!p2 s10, $0x8;
	s0 =	sand.u32 $0xFC, s0  }
0x43: {  	_ =	swait.ge @!p1 [sflag:s30], $0x4000;
	s10 =	ssub.s32 @!p2 s9, s8;
	s0 =	sshrl.u32 s0, $0x2  }
0x44: {  	[sflag:s30] =	ssyncset.done @!p1 $0x0;
	s10 =	sand.u32 @!p2 $0xFE, s10;
	s0 =	smul.u32 $0x7, s0  }
0x45: {  	p0 =	por p0, p2;
	[sflag:s30] =	ssyncadd.s32 @!p1 $0xFFFFC000;
	s10 =	sshrl.u32 @!p2 s10, $0x1  }
0x46: {  	s8 =	sadd.s32 @!p2 s8, s10;
	s10 =	simm.s32 @!p3 $0x80;
	s0 =	ssub.s32 s28, s0  }
0x47: {  	[tilespmem:s3], [sflag:$0x1] =	stream.indirect.gather @!p3 [hbm4b:s1+s10], $0x80, s26, s10, $0xb8;
	[tilespmem:$0x1DC00] =	vst v63  }
0x48: {  	s3 =	sand.u32 @!p2 $0xFC, s8;
	s0 =	sand.u32 $0xFF, s0;
	_ =	swait.ge [sflag:s23], $0x4000  }
0x49: {  	s3 =	sshrl.u32 @!p2 s3, $0x2;
	s0 =	sshll.u32 s0, $0xE;
	[sflag:s23] =	ssyncset.done $0x0  }
0x4a: {  	s3 =	smul.u32 @!p2 $0x7, s3;
	[sflag:s23] =	ssyncadd.s32 $0xFFFFC000;
	s0 =	sor.u32 $0x1C00, s0  }
0x4b: {  	[hbm4b:s29+s2] =	stream.linear.scatter [tilespmem:s0], [sflag:$0x2], $0x4000, $0x38;
	[tilespmem:$0x1DC00] =	vst v63  }
0x4c: {  	s0 =	simm.s32 @!p0 $0x2;
	s3 =	ssub.s32 @!p2 s9, s3;
	p0 =	por p0, p0  }
0x4d: {  	p1 =	por p2, p2;
	s3 =	sand.u32 @!p2 $0xFF, s3;
	_ =	swait.ge @!p0 [sflag:s0], $0x4000  }
0x4e: {  	s8 =	sadd.s32 $0x80, s26;
	s3 =	sshll.u32 @!p2 s3, $0xE;
	[sflag:s0] =	ssyncset.done @!p0 $0x0  }
0x4f: {  	s9 =	simm.s32 @!p1 $0x80;
	s3 =	sor.u32 @!p2 $0x1C00, s3;
	[sflag:s0] =	ssyncadd.s32 @!p0 $0xFFFFC000  }
0x50: {  	[tilespmem:s3], [sflag:$0x1] =	stream.indirect.gather @!p1 [hbm4b:s1+s9], $0x80, s8, s9, $0xb8;
	[tilespmem:$0x1DC00] =	vst v63  }
0x51: {  	_ =	swait.ge [sflag:s24], $0x4000  }
0x52: {  	[sflag:s24] =	ssyncset.done $0x0  }
0x53: {  	[sflag:s24] =	ssyncadd.s32 $0xFFFFC000  }
0x54: {  	_ =	swait.ge [sflag:s24], $0x4000  }
0x55: {  	[sflag:s24] =	ssyncset.done $0x0  }
0x56: {  	[sflag:s24] =	ssyncadd.s32 $0xFFFFC000  }
0x57: {  	_ =	swait.ge [sflag:s24], $0x4000  }
0x58: {  	[sflag:s24] =	ssyncset.done $0x0  }
0x59: {  	[sflag:s24] =	ssyncadd.s32 $0xFFFFC000  }
0x5a: {  	_ =	swait.ge [sflag:s24], $0x4000  }
0x5b: {  	[sflag:s24] =	ssyncset.done $0x0  }
0x5c: {  	[sflag:s24] =	ssyncadd.s32 $0xFFFFC000  }
0x5d: {  	_ =	swait.ge [sflag:s24], $0x4000  }
0x5e: {  	[sflag:s24] =	ssyncset.done $0x0  }
0x5f: {  	s25 =	sadd.s32 $0x1, s25;
	[sflag:s24] =	ssyncadd.s32 $0xFFFFC000  }
0x60: {  	p0 =	sne.s32 s25, s6;
	_ =	swait.ge [sflag:s24], $0x4000  }
.Ltmp1:
0x61: {  	[sflag:s24] =	ssyncset.done $0x0;
	(pc) =	sbr.rel @p0 .LBB2_1-.Ltmp1, $4  }
0x62: {  	[sflag:s24] =	ssyncadd.s32 $0xFFFFC000  }
0x63: {  	_ =	swait.ge [sflag:s24], $0x4000  }
0x64: {  	[sflag:s24] =	ssyncset.done $0x0  }
0x65: {  	[sflag:s24] =	ssyncadd.s32 $0xFFFFC000  }
0x66: {  	_ =	sfence.sel $0x180000  }
0x67: {  	[bflag:$0x0] =	sbarrier.arrive $0xFFFF  }
0x68: {  	_ =	strace $0x90000047  }
0x69: {  	s0 =	stileid.u32;
	[bflag:$0x2] =	sbarrier.arrive $0xFFFF  }
0x6a: {  	p0 =	sne.s32 s0, $0x0;
	s0 =	rddreg [dreg:$0x3]  }
0x6b: {  	s0 =	sadd.s32 @!p0 $0x100000, s0  }
0x6c: {  	[sflag:s0] =	ssyncadd.tile.s32 @!p0 $0x1;
	_ =	shalt  }
.Lfunc_end2:
_tile_overlayer_lowered:
.L_overlay_start_2:
0x6d: {  	(tag) =	ssettag $0x2  }
0x6e: {  	s0 =	rddreg [dreg:$0x0];
	s2 =	stileid.u32  }
0x6f: {  	s1 =	rddreg [dreg:$0x1];
	p0 =	sne.s32 s2, $0x0  }
0x70: {  	s3 =	rddreg [dreg:$0x2];
	[bflag:$0x3] =	sbarrier.arrive $0xFFFF;
	s2 =	simm.s32 @!p0 $0x1C03  }
0x71: {  	[timem:s3], [sflag:s2] =	dma.local @!p0 [hbm:s0], s1  }
0x72: {  	s0 =	simm.s32 @!p0 $0x3  }
0x73: {  	_ =	swait.ge @!p0 [sflag:s0], s1  }
0x74: {  	s1 =	ssub.s32 @!p0 $0x0, s1;
	[sflag:s0] =	ssyncset.done @!p0 $0x0  }
0x75: {  	[sflag:s0] =	ssyncadd.s32 @!p0 s1  }
0x76: {  	[bflag:$0x3] =	sbarrier.arrive $0xFFFF  }
0x77: {  	_ =	shalt  }

</sc_bundles>
